<compile_context>
chip_gen: v7x
topology: tpu7x:2x2x1
jax: 0.10.2.dev20260603
libtpu: 0.0.44.dev20260713+nightly
codegen_flags: <defaults>
</compile_context>

<pallas_src>
import functools

import jax
import jax.numpy as jnp
from jax import lax
from jax.experimental import pallas as pl
from jax.experimental.pallas import tpu as pltpu
from jax.experimental.pallas import tpu_sc as plsc

W = 384
L = 16
CW = W // L
NW = 32
CH = 64


def _mirror_body(x_hbm, out_hbm, in_v, out_v):
    wid = lax.axis_index("s") * 2 + lax.axis_index("c")
    rows_total = x_hbm.shape[0]
    rows_per_w = rows_total // NW
    n_chunks = rows_per_w // CH
    w_base = wid * rows_per_w

    def chunk_body(g, carry):
        row0 = w_base + g * CH
        pltpu.sync_copy(x_hbm.at[pl.ds(row0, CH), :], in_v)

        def row_body(r, c2):
            for c in range(CW):
                v = in_v[r, pl.ds((CW - 1 - c) * L, L)]
                out_v[r, pl.ds(c * L, L)] = lax.rev(v, (0,))
            return c2

        lax.fori_loop(0, CH, row_body, 0)
        pltpu.sync_copy(out_v, out_hbm.at[pl.ds(row0, CH), :])
        return carry

    lax.fori_loop(0, n_chunks, chunk_body, 0)


def kernel(x):
    b, c, h, w = x.shape
    rows = b * c * h
    x2 = x.reshape(rows, w)
    mesh = plsc.VectorSubcoreMesh(core_axis_name="c", subcore_axis_name="s")
    run = functools.partial(
        pl.kernel,
        mesh=mesh,
        out_type=jax.ShapeDtypeStruct((rows, w), jnp.float32),
        scratch_types=[
            pltpu.VMEM((CH, W), jnp.float32),
            pltpu.VMEM((CH, W), jnp.float32),
        ],
    )(_mirror_body)
    out2 = run(x2)
    return out2.reshape(b, c, h, w)

# --- scband reference (transcript-rebuilt; emitter-appended) ---
"""Pipeline reference for scband-mirror-62045097558292 (READ-ONLY COPY).

The authoritative reference and input builder live on the scoring server;
editing this copy changes nothing except your own understanding.
"""

import jax, jax.numpy as jnp
import numpy as np

def setup_inputs(seed: int = 0) -> dict:
    key = jax.random.key(seed)
    x = jax.random.normal(key, (4, 96, 384, 384), dtype=jnp.float32)
    return {"x": x}

def reference(x):
    # Mirror: inv_idx = arange(size(2)-1, -1, -1); index_select along dim 3
    input_size = x.shape[2]
    inv_idx = jnp.arange(input_size - 1, -1, -1)
    mirrored = jnp.take(x, inv_idx, axis=3)
    return mirrored

if __name__ == "__main__":
    import jax
    _d = setup_inputs()
    print(jax.jit(kernel)(*tuple(_d.values())))

</pallas_src>

<mosaic_0001>
#map = affine_map<(d0, d1) -> (0, 0)>
module attributes {stable_mosaic.version = 14 : i64} {
  func.func @_mirror_body(%arg0: i32, %arg1: i32, %arg2: memref<147456x384xf32, #tpu.memory_space<hbm>>, %arg3: memref<147456x384xf32, #tpu.memory_space<hbm>>, %arg4: memref<64x384xf32, #tpu.memory_space<vmem>>, %arg5: memref<64x384xf32, #tpu.memory_space<vmem>>) attributes {dimension_semantics = [#tpu.dimension_semantics<core_parallel>, #tpu.dimension_semantics<subcore_parallel>], iteration_bounds = array<i64: 2, 16>, scalar_prefetch = 0 : i64, scratch_operands = 2 : i64, tpu.core_type = #tpu.core_type<sc_vector_subcore>, window_params = [{transform_indices = #map}, {transform_indices = #map}]} {
    %mul3A = arith.constant 2 : i32
    %mul3A_0 = arith.muli %arg1, %mul3A : i32
    %add3A = arith.addi %mul3A_0, %arg0 : i32
    %mul3A_1 = arith.constant 4608 : i32
    %mul3A_2 = arith.muli %add3A, %mul3A_1 : i32
    %scan3A = arith.constant 0 : i32
    %scan3A_3 = arith.constant 0 : i32
    %scan3A_4 = arith.constant 72 : i32
    %scan3A_5 = arith.addi %scan3A_3, %scan3A_4 : i32
    %scan3A_6 = arith.constant 1 : i32
    scf.for %scan3A_8 = %scan3A_3 to %scan3A_5 step %scan3A_6  : i32 {
      %mul3A_9 = arith.constant 64 : i32
      %mul3A_10 = arith.muli %scan3A_8, %mul3A_9 : i32
      %add3A_11 = arith.addi %mul3A_2, %mul3A_10 : i32
      "tpu.region"() ({
        %run_scoped3A = tpu.sem_alloc : memref<!tpu.dma_semaphore, #tpu.memory_space<semaphore_mem>>
        %dma_start3A = arith.constant 0 : i32
        %dma_start3A_18 = tpu.memref_slice %arg2[%add3A_11, %dma_start3A] : memref<147456x384xf32, #tpu.memory_space<hbm>> -> memref<64x384xf32, #tpu.memory_space<hbm>>
        %dma_start3A_19 = arith.constant 0 : i32
        %dma_start3A_20 = tpu.memref_slice %arg2[%add3A_11, %dma_start3A_19] : memref<147456x384xf32, #tpu.memory_space<hbm>> -> memref<64x384xf32, #tpu.memory_space<hbm>>
        tpu.enqueue_dma source(%dma_start3A_20 : memref<64x384xf32, #tpu.memory_space<hbm>>) target(%arg4 : memref<64x384xf32, #tpu.memory_space<vmem>>) target_semaphore(%run_scoped3A : memref<!tpu.dma_semaphore, #tpu.memory_space<semaphore_mem>>)
        %dma_wait3A = arith.constant 0 : i32
        %dma_wait3A_21 = tpu.memref_slice %arg2[%add3A_11, %dma_wait3A] : memref<147456x384xf32, #tpu.memory_space<hbm>> -> memref<64x384xf32, #tpu.memory_space<hbm>>
        %dma_wait3A_22 = arith.constant 0 : i32
        %dma_wait3A_23 = tpu.memref_slice %arg2[%add3A_11, %dma_wait3A_22] : memref<147456x384xf32, #tpu.memory_space<hbm>> -> memref<64x384xf32, #tpu.memory_space<hbm>>
        tpu.wait_dma2 semaphore(%run_scoped3A : memref<!tpu.dma_semaphore, #tpu.memory_space<semaphore_mem>>) src(%dma_wait3A_23 : memref<64x384xf32, #tpu.memory_space<hbm>>) dst(%arg4 : memref<64x384xf32, #tpu.memory_space<vmem>>)
        tpu.yield
      }) : () -> ()
      %scan3A_12 = arith.constant 0 : i32
      %scan3A_13 = arith.constant 0 : i32
      %scan3A_14 = arith.constant 64 : i32
      %scan3A_15 = arith.addi %scan3A_13, %scan3A_14 : i32
      %scan3A_16 = arith.constant 1 : i32
      scf.for %scan3A_18 = %scan3A_13 to %scan3A_15 step %scan3A_16  : i32 {
        %get3A = arith.index_cast %scan3A_18 : i32 to index
        %get3A_19 = arith.constant 368 : index
        %get3A_20 = tpu.vector_load %arg4[%get3A, %get3A_19] {strides = array<i32>} : memref<64x384xf32, #tpu.memory_space<vmem>>, vector<1x16xf32>,
        %get3A_21 = vector.shape_cast %get3A_20 : vector<1x16xf32> to vector<16xf32>
        %rev3A = arith.constant 15 : i32
        %rev3A_22 = vector.broadcast %rev3A : i32 to vector<16xi32>
        %rev3A_23 = tpu.iota {dimensions = array<i32: 0>} : vector<16xi32>
        %rev3A_24 = arith.subi %rev3A_22, %rev3A_23 : vector<16xi32>
        %rev3A_25 = tpu.dynamic_gather %get3A_21[%rev3A_24] in [0] : vector<16xf32>, vector<16xi32> -> vector<16xf32>
        %swap3A = arith.index_cast %scan3A_18 : i32 to index
        %swap3A_26 = arith.constant 0 : index
        %swap3A_27 = tpu.vector_load %arg5[%swap3A, %swap3A_26] {strides = array<i32>} : memref<64x384xf32, #tpu.memory_space<vmem>>, vector<1x16xf32>,
        %swap3A_28 = vector.shape_cast %swap3A_27 : vector<1x16xf32> to vector<16xf32>
        %swap3A_29 = vector.shape_cast %rev3A_25 : vector<16xf32> to vector<1x16xf32>
        tpu.vector_store %arg5[%swap3A, %swap3A_26], %swap3A_29 {strides = array<i32>} : memref<64x384xf32, #tpu.memory_space<vmem>>, vector<1x16xf32>,
        %get3A_30 = arith.index_cast %scan3A_18 : i32 to index
        %get3A_31 = arith.constant 352 : index
        %get3A_32 = tpu.vector_load %arg4[%get3A_30, %get3A_31] {strides = array<i32>} : memref<64x384xf32, #tpu.memory_space<vmem>>, vector<1x16xf32>,
        %get3A_33 = vector.shape_cast %get3A_32 : vector<1x16xf32> to vector<16xf32>
        %rev3A_34 = arith.constant 15 : i32
        %rev3A_35 = vector.broadcast %rev3A_34 : i32 to vector<16xi32>
        %rev3A_36 = tpu.iota {dimensions = array<i32: 0>} : vector<16xi32>
        %rev3A_37 = arith.subi %rev3A_35, %rev3A_36 : vector<16xi32>
        %rev3A_38 = tpu.dynamic_gather %get3A_33[%rev3A_37] in [0] : vector<16xf32>, vector<16xi32> -> vector<16xf32>
        %swap3A_39 = arith.index_cast %scan3A_18 : i32 to index
        %swap3A_40 = arith.constant 16 : index
        %swap3A_41 = tpu.vector_load %arg5[%swap3A_39, %swap3A_40] {strides = array<i32>} : memref<64x384xf32, #tpu.memory_space<vmem>>, vector<1x16xf32>,
        %swap3A_42 = vector.shape_cast %swap3A_41 : vector<1x16xf32> to vector<16xf32>
        %swap3A_43 = vector.shape_cast %rev3A_38 : vector<16xf32> to vector<1x16xf32>
        tpu.vector_store %arg5[%swap3A_39, %swap3A_40], %swap3A_43 {strides = array<i32>} : memref<64x384xf32, #tpu.memory_space<vmem>>, vector<1x16xf32>,
        %get3A_44 = arith.index_cast %scan3A_18 : i32 to index
        %get3A_45 = arith.constant 336 : index
        %get3A_46 = tpu.vector_load %arg4[%get3A_44, %get3A_45] {strides = array<i32>} : memref<64x384xf32, #tpu.memory_space<vmem>>, vector<1x16xf32>,
        %get3A_47 = vector.shape_cast %get3A_46 : vector<1x16xf32> to vector<16xf32>
        %rev3A_48 = arith.constant 15 : i32
        %rev3A_49 = vector.broadcast %rev3A_48 : i32 to vector<16xi32>
        %rev3A_50 = tpu.iota {dimensions = array<i32: 0>} : vector<16xi32>
        %rev3A_51 = arith.subi %rev3A_49, %rev3A_50 : vector<16xi32>
        %rev3A_52 = tpu.dynamic_gather %get3A_47[%rev3A_51] in [0] : vector<16xf32>, vector<16xi32> -> vector<16xf32>
        %swap3A_53 = arith.index_cast %scan3A_18 : i32 to index
        %swap3A_54 = arith.constant 32 : index
        %swap3A_55 = tpu.vector_load %arg5[%swap3A_53, %swap3A_54] {strides = array<i32>} : memref<64x384xf32, #tpu.memory_space<vmem>>, vector<1x16xf32>,
        %swap3A_56 = vector.shape_cast %swap3A_55 : vector<1x16xf32> to vector<16xf32>
        %swap3A_57 = vector.shape_cast %rev3A_52 : vector<16xf32> to vector<1x16xf32>
        tpu.vector_store %arg5[%swap3A_53, %swap3A_54], %swap3A_57 {strides = array<i32>} : memref<64x384xf32, #tpu.memory_space<vmem>>, vector<1x16xf32>,
        %get3A_58 = arith.index_cast %scan3A_18 : i32 to index
        %get3A_59 = arith.constant 320 : index
        %get3A_60 = tpu.vector_load %arg4[%get3A_58, %get3A_59] {strides = array<i32>} : memref<64x384xf32, #tpu.memory_space<vmem>>, vector<1x16xf32>,
        %get3A_61 = vector.shape_cast %get3A_60 : vector<1x16xf32> to vector<16xf32>
        %rev3A_62 = arith.constant 15 : i32
        %rev3A_63 = vector.broadcast %rev3A_62 : i32 to vector<16xi32>
        %rev3A_64 = tpu.iota {dimensions = array<i32: 0>} : vector<16xi32>
        %rev3A_65 = arith.subi %rev3A_63, %rev3A_64 : vector<16xi32>
        %rev3A_66 = tpu.dynamic_gather %get3A_61[%rev3A_65] in [0] : vector<16xf32>, vector<16xi32> -> vector<16xf32>
        %swap3A_67 = arith.index_cast %scan3A_18 : i32 to index
        %swap3A_68 = arith.constant 48 : index
        %swap3A_69 = tpu.vector_load %arg5[%swap3A_67, %swap3A_68] {strides = array<i32>} : memref<64x384xf32, #tpu.memory_space<vmem>>, vector<1x16xf32>,
        %swap3A_70 = vector.shape_cast %swap3A_69 : vector<1x16xf32> to vector<16xf32>
        %swap3A_71 = vector.shape_cast %rev3A_66 : vector<16xf32> to vector<1x16xf32>
        tpu.vector_store %arg5[%swap3A_67, %swap3A_68], %swap3A_71 {strides = array<i32>} : memref<64x384xf32, #tpu.memory_space<vmem>>, vector<1x16xf32>,
        %get3A_72 = arith.index_cast %scan3A_18 : i32 to index
        %get3A_73 = arith.constant 304 : index
        %get3A_74 = tpu.vector_load %arg4[%get3A_72, %get3A_73] {strides = array<i32>} : memref<64x384xf32, #tpu.memory_space<vmem>>, vector<1x16xf32>,
        %get3A_75 = vector.shape_cast %get3A_74 : vector<1x16xf32> to vector<16xf32>
        %rev3A_76 = arith.constant 15 : i32
        %rev3A_77 = vector.broadcast %rev3A_76 : i32 to vector<16xi32>
        %rev3A_78 = tpu.iota {dimensions = array<i32: 0>} : vector<16xi32>
        %rev3A_79 = arith.subi %rev3A_77, %rev3A_78 : vector<16xi32>
        %rev3A_80 = tpu.dynamic_gather %get3A_75[%rev3A_79] in [0] : vector<16xf32>, vector<16xi32> -> vector<16xf32>
        %swap3A_81 = arith.index_cast %scan3A_18 : i32 to index
        %swap3A_82 = arith.constant 64 : index
        %swap3A_83 = tpu.vector_load %arg5[%swap3A_81, %swap3A_82] {strides = array<i32>} : memref<64x384xf32, #tpu.memory_space<vmem>>, vector<1x16xf32>,
        %swap3A_84 = vector.shape_cast %swap3A_83 : vector<1x16xf32> to vector<16xf32>
        %swap3A_85 = vector.shape_cast %rev3A_80 : vector<16xf32> to vector<1x16xf32>
        tpu.vector_store %arg5[%swap3A_81, %swap3A_82], %swap3A_85 {strides = array<i32>} : memref<64x384xf32, #tpu.memory_space<vmem>>, vector<1x16xf32>,
        %get3A_86 = arith.index_cast %scan3A_18 : i32 to index
        %get3A_87 = arith.constant 288 : index
        %get3A_88 = tpu.vector_load %arg4[%get3A_86, %get3A_87] {strides = array<i32>} : memref<64x384xf32, #tpu.memory_space<vmem>>, vector<1x16xf32>,
        %get3A_89 = vector.shape_cast %get3A_88 : vector<1x16xf32> to vector<16xf32>
        %rev3A_90 = arith.constant 15 : i32
        %rev3A_91 = vector.broadcast %rev3A_90 : i32 to vector<16xi32>
        %rev3A_92 = tpu.iota {dimensions = array<i32: 0>} : vector<16xi32>
        %rev3A_93 = arith.subi %rev3A_91, %rev3A_92 : vector<16xi32>
        %rev3A_94 = tpu.dynamic_gather %get3A_89[%rev3A_93] in [0] : vector<16xf32>, vector<16xi32> -> vector<16xf32>
        %swap3A_95 = arith.index_cast %scan3A_18 : i32 to index
        %swap3A_96 = arith.constant 80 : index
        %swap3A_97 = tpu.vector_load %arg5[%swap3A_95, %swap3A_96] {strides = array<i32>} : memref<64x384xf32, #tpu.memory_space<vmem>>, vector<1x16xf32>,
        %swap3A_98 = vector.shape_cast %swap3A_97 : vector<1x16xf32> to vector<16xf32>
        %swap3A_99 = vector.shape_cast %rev3A_94 : vector<16xf32> to vector<1x16xf32>
        tpu.vector_store %arg5[%swap3A_95, %swap3A_96], %swap3A_99 {strides = array<i32>} : memref<64x384xf32, #tpu.memory_space<vmem>>, vector<1x16xf32>,
        %get3A_100 = arith.index_cast %scan3A_18 : i32 to index
        %get3A_101 = arith.constant 272 : index
        %get3A_102 = tpu.vector_load %arg4[%get3A_100, %get3A_101] {strides = array<i32>} : memref<64x384xf32, #tpu.memory_space<vmem>>, vector<1x16xf32>,
        %get3A_103 = vector.shape_cast %get3A_102 : vector<1x16xf32> to vector<16xf32>
        %rev3A_104 = arith.constant 15 : i32
        %rev3A_105 = vector.broadcast %rev3A_104 : i32 to vector<16xi32>
        %rev3A_106 = tpu.iota {dimensions = array<i32: 0>} : vector<16xi32>
        %rev3A_107 = arith.subi %rev3A_105, %rev3A_106 : vector<16xi32>
        %rev3A_108 = tpu.dynamic_gather %get3A_103[%rev3A_107] in [0] : vector<16xf32>, vector<16xi32> -> vector<16xf32>
        %swap3A_109 = arith.index_cast %scan3A_18 : i32 to index
        %swap3A_110 = arith.constant 96 : index
        %swap3A_111 = tpu.vector_load %arg5[%swap3A_109, %swap3A_110] {strides = array<i32>} : memref<64x384xf32, #tpu.memory_space<vmem>>, vector<1x16xf32>,
        %swap3A_112 = vector.shape_cast %swap3A_111 : vector<1x16xf32> to vector<16xf32>
        %swap3A_113 = vector.shape_cast %rev3A_108 : vector<16xf32> to vector<1x16xf32>
        tpu.vector_store %arg5[%swap3A_109, %swap3A_110], %swap3A_113 {strides = array<i32>} : memref<64x384xf32, #tpu.memory_space<vmem>>, vector<1x16xf32>,
        %get3A_114 = arith.index_cast %scan3A_18 : i32 to index
        %get3A_115 = arith.constant 256 : index
        %get3A_116 = tpu.vector_load %arg4[%get3A_114, %get3A_115] {strides = array<i32>} : memref<64x384xf32, #tpu.memory_space<vmem>>, vector<1x16xf32>,
        %get3A_117 = vector.shape_cast %get3A_116 : vector<1x16xf32> to vector<16xf32>
        %rev3A_118 = arith.constant 15 : i32
        %rev3A_119 = vector.broadcast %rev3A_118 : i32 to vector<16xi32>
        %rev3A_120 = tpu.iota {dimensions = array<i32: 0>} : vector<16xi32>
        %rev3A_121 = arith.subi %rev3A_119, %rev3A_120 : vector<16xi32>
        %rev3A_122 = tpu.dynamic_gather %get3A_117[%rev3A_121] in [0] : vector<16xf32>, vector<16xi32> -> vector<16xf32>
        %swap3A_123 = arith.index_cast %scan3A_18 : i32 to index
        %swap3A_124 = arith.constant 112 : index
        %swap3A_125 = tpu.vector_load %arg5[%swap3A_123, %swap3A_124] {strides = array<i32>} : memref<64x384xf32, #tpu.memory_space<vmem>>, vector<1x16xf32>,
        %swap3A_126 = vector.shape_cast %swap3A_125 : vector<1x16xf32> to vector<16xf32>
        %swap3A_127 = vector.shape_cast %rev3A_122 : vector<16xf32> to vector<1x16xf32>
        tpu.vector_store %arg5[%swap3A_123, %swap3A_124], %swap3A_127 {strides = array<i32>} : memref<64x384xf32, #tpu.memory_space<vmem>>, vector<1x16xf32>,
        %get3A_128 = arith.index_cast %scan3A_18 : i32 to index
        %get3A_129 = arith.constant 240 : index
        %get3A_130 = tpu.vector_load %arg4[%get3A_128, %get3A_129] {strides = array<i32>} : memref<64x384xf32, #tpu.memory_space<vmem>>, vector<1x16xf32>,
        %get3A_131 = vector.shape_cast %get3A_130 : vector<1x16xf32> to vector<16xf32>
        %rev3A_132 = arith.constant 15 : i32
        %rev3A_133 = vector.broadcast %rev3A_132 : i32 to vector<16xi32>
        %rev3A_134 = tpu.iota {dimensions = array<i32: 0>} : vector<16xi32>
        %rev3A_135 = arith.subi %rev3A_133, %rev3A_134 : vector<16xi32>
        %rev3A_136 = tpu.dynamic_gather %get3A_131[%rev3A_135] in [0] : vector<16xf32>, vector<16xi32> -> vector<16xf32>
        %swap3A_137 = arith.index_cast %scan3A_18 : i32 to index
        %swap3A_138 = arith.constant 128 : index
        %swap3A_139 = tpu.vector_load %arg5[%swap3A_137, %swap3A_138] {strides = array<i32>} : memref<64x384xf32, #tpu.memory_space<vmem>>, vector<1x16xf32>,
        %swap3A_140 = vector.shape_cast %swap3A_139 : vector<1x16xf32> to vector<16xf32>
        %swap3A_141 = vector.shape_cast %rev3A_136 : vector<16xf32> to vector<1x16xf32>
        tpu.vector_store %arg5[%swap3A_137, %swap3A_138], %swap3A_141 {strides = array<i32>} : memref<64x384xf32, #tpu.memory_space<vmem>>, vector<1x16xf32>,
        %get3A_142 = arith.index_cast %scan3A_18 : i32 to index
        %get3A_143 = arith.constant 224 : index
        %get3A_144 = tpu.vector_load %arg4[%get3A_142, %get3A_143] {strides = array<i32>} : memref<64x384xf32, #tpu.memory_space<vmem>>, vector<1x16xf32>,
        %get3A_145 = vector.shape_cast %get3A_144 : vector<1x16xf32> to vector<16xf32>
        %rev3A_146 = arith.constant 15 : i32
        %rev3A_147 = vector.broadcast %rev3A_146 : i32 to vector<16xi32>
        %rev3A_148 = tpu.iota {dimensions = array<i32: 0>} : vector<16xi32>
        %rev3A_149 = arith.subi %rev3A_147, %rev3A_148 : vector<16xi32>
        %rev3A_150 = tpu.dynamic_gather %get3A_145[%rev3A_149] in [0] : vector<16xf32>, vector<16xi32> -> vector<16xf32>
        %swap3A_151 = arith.index_cast %scan3A_18 : i32 to index
        %swap3A_152 = arith.constant 144 : index
        %swap3A_153 = tpu.vector_load %arg5[%swap3A_151, %swap3A_152] {strides = array<i32>} : memref<64x384xf32, #tpu.memory_space<vmem>>, vector<1x16xf32>,
        %swap3A_154 = vector.shape_cast %swap3A_153 : vector<1x16xf32> to vector<16xf32>
        %swap3A_155 = vector.shape_cast %rev3A_150 : vector<16xf32> to vector<1x16xf32>
        tpu.vector_store %arg5[%swap3A_151, %swap3A_152], %swap3A_155 {strides = array<i32>} : memref<64x384xf32, #tpu.memory_space<vmem>>, vector<1x16xf32>,
        %get3A_156 = arith.index_cast %scan3A_18 : i32 to index
        %get3A_157 = arith.constant 208 : index
        %get3A_158 = tpu.vector_load %arg4[%get3A_156, %get3A_157] {strides = array<i32>} : memref<64x384xf32, #tpu.memory_space<vmem>>, vector<1x16xf32>,
        %get3A_159 = vector.shape_cast %get3A_158 : vector<1x16xf32> to vector<16xf32>
        %rev3A_160 = arith.constant 15 : i32
        %rev3A_161 = vector.broadcast %rev3A_160 : i32 to vector<16xi32>
        %rev3A_162 = tpu.iota {dimensions = array<i32: 0>} : vector<16xi32>
        %rev3A_163 = arith.subi %rev3A_161, %rev3A_162 : vector<16xi32>
        %rev3A_164 = tpu.dynamic_gather %get3A_159[%rev3A_163] in [0] : vector<16xf32>, vector<16xi32> -> vector<16xf32>
        %swap3A_165 = arith.index_cast %scan3A_18 : i32 to index
        %swap3A_166 = arith.constant 160 : index
        %swap3A_167 = tpu.vector_load %arg5[%swap3A_165, %swap3A_166] {strides = array<i32>} : memref<64x384xf32, #tpu.memory_space<vmem>>, vector<1x16xf32>,
        %swap3A_168 = vector.shape_cast %swap3A_167 : vector<1x16xf32> to vector<16xf32>
        %swap3A_169 = vector.shape_cast %rev3A_164 : vector<16xf32> to vector<1x16xf32>
        tpu.vector_store %arg5[%swap3A_165, %swap3A_166], %swap3A_169 {strides = array<i32>} : memref<64x384xf32, #tpu.memory_space<vmem>>, vector<1x16xf32>,
        %get3A_170 = arith.index_cast %scan3A_18 : i32 to index
        %get3A_171 = arith.constant 192 : index
        %get3A_172 = tpu.vector_load %arg4[%get3A_170, %get3A_171] {strides = array<i32>} : memref<64x384xf32, #tpu.memory_space<vmem>>, vector<1x16xf32>,
        %get3A_173 = vector.shape_cast %get3A_172 : vector<1x16xf32> to vector<16xf32>
        %rev3A_174 = arith.constant 15 : i32
        %rev3A_175 = vector.broadcast %rev3A_174 : i32 to vector<16xi32>
        %rev3A_176 = tpu.iota {dimensions = array<i32: 0>} : vector<16xi32>
        %rev3A_177 = arith.subi %rev3A_175, %rev3A_176 : vector<16xi32>
        %rev3A_178 = tpu.dynamic_gather %get3A_173[%rev3A_177] in [0] : vector<16xf32>, vector<16xi32> -> vector<16xf32>
        %swap3A_179 = arith.index_cast %scan3A_18 : i32 to index
        %swap3A_180 = arith.constant 176 : index
        %swap3A_181 = tpu.vector_load %arg5[%swap3A_179, %swap3A_180] {strides = array<i32>} : memref<64x384xf32, #tpu.memory_space<vmem>>, vector<1x16xf32>,
        %swap3A_182 = vector.shape_cast %swap3A_181 : vector<1x16xf32> to vector<16xf32>
        %swap3A_183 = vector.shape_cast %rev3A_178 : vector<16xf32> to vector<1x16xf32>
        tpu.vector_store %arg5[%swap3A_179, %swap3A_180], %swap3A_183 {strides = array<i32>} : memref<64x384xf32, #tpu.memory_space<vmem>>, vector<1x16xf32>,
        %get3A_184 = arith.index_cast %scan3A_18 : i32 to index
        %get3A_185 = arith.constant 176 : index
        %get3A_186 = tpu.vector_load %arg4[%get3A_184, %get3A_185] {strides = array<i32>} : memref<64x384xf32, #tpu.memory_space<vmem>>, vector<1x16xf32>,
        %get3A_187 = vector.shape_cast %get3A_186 : vector<1x16xf32> to vector<16xf32>
        %rev3A_188 = arith.constant 15 : i32
        %rev3A_189 = vector.broadcast %rev3A_188 : i32 to vector<16xi32>
        %rev3A_190 = tpu.iota {dimensions = array<i32: 0>} : vector<16xi32>
        %rev3A_191 = arith.subi %rev3A_189, %rev3A_190 : vector<16xi32>
        %rev3A_192 = tpu.dynamic_gather %get3A_187[%rev3A_191] in [0] : vector<16xf32>, vector<16xi32> -> vector<16xf32>
        %swap3A_193 = arith.index_cast %scan3A_18 : i32 to index
        %swap3A_194 = arith.constant 192 : index
        %swap3A_195 = tpu.vector_load %arg5[%swap3A_193, %swap3A_194] {strides = array<i32>} : memref<64x384xf32, #tpu.memory_space<vmem>>, vector<1x16xf32>,
        %swap3A_196 = vector.shape_cast %swap3A_195 : vector<1x16xf32> to vector<16xf32>
        %swap3A_197 = vector.shape_cast %rev3A_192 : vector<16xf32> to vector<1x16xf32>
        tpu.vector_store %arg5[%swap3A_193, %swap3A_194], %swap3A_197 {strides = array<i32>} : memref<64x384xf32, #tpu.memory_space<vmem>>, vector<1x16xf32>,
        %get3A_198 = arith.index_cast %scan3A_18 : i32 to index
        %get3A_199 = arith.constant 160 : index
        %get3A_200 = tpu.vector_load %arg4[%get3A_198, %get3A_199] {strides = array<i32>} : memref<64x384xf32, #tpu.memory_space<vmem>>, vector<1x16xf32>,
        %get3A_201 = vector.shape_cast %get3A_200 : vector<1x16xf32> to vector<16xf32>
        %rev3A_202 = arith.constant 15 : i32
        %rev3A_203 = vector.broadcast %rev3A_202 : i32 to vector<16xi32>
        %rev3A_204 = tpu.iota {dimensions = array<i32: 0>} : vector<16xi32>
        %rev3A_205 = arith.subi %rev3A_203, %rev3A_204 : vector<16xi32>
        %rev3A_206 = tpu.dynamic_gather %get3A_201[%rev3A_205] in [0] : vector<16xf32>, vector<16xi32> -> vector<16xf32>
        %swap3A_207 = arith.index_cast %scan3A_18 : i32 to index
        %swap3A_208 = arith.constant 208 : index
        %swap3A_209 = tpu.vector_load %arg5[%swap3A_207, %swap3A_208] {strides = array<i32>} : memref<64x384xf32, #tpu.memory_space<vmem>>, vector<1x16xf32>,
        %swap3A_210 = vector.shape_cast %swap3A_209 : vector<1x16xf32> to vector<16xf32>
        %swap3A_211 = vector.shape_cast %rev3A_206 : vector<16xf32> to vector<1x16xf32>
        tpu.vector_store %arg5[%swap3A_207, %swap3A_208], %swap3A_211 {strides = array<i32>} : memref<64x384xf32, #tpu.memory_space<vmem>>, vector<1x16xf32>,
        %get3A_212 = arith.index_cast %scan3A_18 : i32 to index
        %get3A_213 = arith.constant 144 : index
        %get3A_214 = tpu.vector_load %arg4[%get3A_212, %get3A_213] {strides = array<i32>} : memref<64x384xf32, #tpu.memory_space<vmem>>, vector<1x16xf32>,
        %get3A_215 = vector.shape_cast %get3A_214 : vector<1x16xf32> to vector<16xf32>
        %rev3A_216 = arith.constant 15 : i32
        %rev3A_217 = vector.broadcast %rev3A_216 : i32 to vector<16xi32>
        %rev3A_218 = tpu.iota {dimensions = array<i32: 0>} : vector<16xi32>
        %rev3A_219 = arith.subi %rev3A_217, %rev3A_218 : vector<16xi32>
        %rev3A_220 = tpu.dynamic_gather %get3A_215[%rev3A_219] in [0] : vector<16xf32>, vector<16xi32> -> vector<16xf32>
        %swap3A_221 = arith.index_cast %scan3A_18 : i32 to index
        %swap3A_222 = arith.constant 224 : index
        %swap3A_223 = tpu.vector_load %arg5[%swap3A_221, %swap3A_222] {strides = array<i32>} : memref<64x384xf32, #tpu.memory_space<vmem>>, vector<1x16xf32>,
        %swap3A_224 = vector.shape_cast %swap3A_223 : vector<1x16xf32> to vector<16xf32>
        %swap3A_225 = vector.shape_cast %rev3A_220 : vector<16xf32> to vector<1x16xf32>
        tpu.vector_store %arg5[%swap3A_221, %swap3A_222], %swap3A_225 {strides = array<i32>} : memref<64x384xf32, #tpu.memory_space<vmem>>, vector<1x16xf32>,
        %get3A_226 = arith.index_cast %scan3A_18 : i32 to index
        %get3A_227 = arith.constant 128 : index
        %get3A_228 = tpu.vector_load %arg4[%get3A_226, %get3A_227] {strides = array<i32>} : memref<64x384xf32, #tpu.memory_space<vmem>>, vector<1x16xf32>,
        %get3A_229 = vector.shape_cast %get3A_228 : vector<1x16xf32> to vector<16xf32>
        %rev3A_230 = arith.constant 15 : i32
        %rev3A_231 = vector.broadcast %rev3A_230 : i32 to vector<16xi32>
        %rev3A_232 = tpu.iota {dimensions = array<i32: 0>} : vector<16xi32>
        %rev3A_233 = arith.subi %rev3A_231, %rev3A_232 : vector<16xi32>
        %rev3A_234 = tpu.dynamic_gather %get3A_229[%rev3A_233] in [0] : vector<16xf32>, vector<16xi32> -> vector<16xf32>
        %swap3A_235 = arith.index_cast %scan3A_18 : i32 to index
        %swap3A_236 = arith.constant 240 : index
        %swap3A_237 = tpu.vector_load %arg5[%swap3A_235, %swap3A_236] {strides = array<i32>} : memref<64x384xf32, #tpu.memory_space<vmem>>, vector<1x16xf32>,
        %swap3A_238 = vector.shape_cast %swap3A_237 : vector<1x16xf32> to vector<16xf32>
        %swap3A_239 = vector.shape_cast %rev3A_234 : vector<16xf32> to vector<1x16xf32>
        tpu.vector_store %arg5[%swap3A_235, %swap3A_236], %swap3A_239 {strides = array<i32>} : memref<64x384xf32, #tpu.memory_space<vmem>>, vector<1x16xf32>,
        %get3A_240 = arith.index_cast %scan3A_18 : i32 to index
        %get3A_241 = arith.constant 112 : index
        %get3A_242 = tpu.vector_load %arg4[%get3A_240, %get3A_241] {strides = array<i32>} : memref<64x384xf32, #tpu.memory_space<vmem>>, vector<1x16xf32>,
        %get3A_243 = vector.shape_cast %get3A_242 : vector<1x16xf32> to vector<16xf32>
        %rev3A_244 = arith.constant 15 : i32
        %rev3A_245 = vector.broadcast %rev3A_244 : i32 to vector<16xi32>
        %rev3A_246 = tpu.iota {dimensions = array<i32: 0>} : vector<16xi32>
        %rev3A_247 = arith.subi %rev3A_245, %rev3A_246 : vector<16xi32>
        %rev3A_248 = tpu.dynamic_gather %get3A_243[%rev3A_247] in [0] : vector<16xf32>, vector<16xi32> -> vector<16xf32>
        %swap3A_249 = arith.index_cast %scan3A_18 : i32 to index
        %swap3A_250 = arith.constant 256 : index
        %swap3A_251 = tpu.vector_load %arg5[%swap3A_249, %swap3A_250] {strides = array<i32>} : memref<64x384xf32, #tpu.memory_space<vmem>>, vector<1x16xf32>,
        %swap3A_252 = vector.shape_cast %swap3A_251 : vector<1x16xf32> to vector<16xf32>
        %swap3A_253 = vector.shape_cast %rev3A_248 : vector<16xf32> to vector<1x16xf32>
        tpu.vector_store %arg5[%swap3A_249, %swap3A_250], %swap3A_253 {strides = array<i32>} : memref<64x384xf32, #tpu.memory_space<vmem>>, vector<1x16xf32>,
        %get3A_254 = arith.index_cast %scan3A_18 : i32 to index
        %get3A_255 = arith.constant 96 : index
        %get3A_256 = tpu.vector_load %arg4[%get3A_254, %get3A_255] {strides = array<i32>} : memref<64x384xf32, #tpu.memory_space<vmem>>, vector<1x16xf32>,
        %get3A_257 = vector.shape_cast %get3A_256 : vector<1x16xf32> to vector<16xf32>
        %rev3A_258 = arith.constant 15 : i32
        %rev3A_259 = vector.broadcast %rev3A_258 : i32 to vector<16xi32>
        %rev3A_260 = tpu.iota {dimensions = array<i32: 0>} : vector<16xi32>
        %rev3A_261 = arith.subi %rev3A_259, %rev3A_260 : vector<16xi32>
        %rev3A_262 = tpu.dynamic_gather %get3A_257[%rev3A_261] in [0] : vector<16xf32>, vector<16xi32> -> vector<16xf32>
        %swap3A_263 = arith.index_cast %scan3A_18 : i32 to index
        %swap3A_264 = arith.constant 272 : index
        %swap3A_265 = tpu.vector_load %arg5[%swap3A_263, %swap3A_264] {strides = array<i32>} : memref<64x384xf32, #tpu.memory_space<vmem>>, vector<1x16xf32>,
        %swap3A_266 = vector.shape_cast %swap3A_265 : vector<1x16xf32> to vector<16xf32>
        %swap3A_267 = vector.shape_cast %rev3A_262 : vector<16xf32> to vector<1x16xf32>
        tpu.vector_store %arg5[%swap3A_263, %swap3A_264], %swap3A_267 {strides = array<i32>} : memref<64x384xf32, #tpu.memory_space<vmem>>, vector<1x16xf32>,
        %get3A_268 = arith.index_cast %scan3A_18 : i32 to index
        %get3A_269 = arith.constant 80 : index
        %get3A_270 = tpu.vector_load %arg4[%get3A_268, %get3A_269] {strides = array<i32>} : memref<64x384xf32, #tpu.memory_space<vmem>>, vector<1x16xf32>,
        %get3A_271 = vector.shape_cast %get3A_270 : vector<1x16xf32> to vector<16xf32>
        %rev3A_272 = arith.constant 15 : i32
        %rev3A_273 = vector.broadcast %rev3A_272 : i32 to vector<16xi32>
        %rev3A_274 = tpu.iota {dimensions = array<i32: 0>} : vector<16xi32>
        %rev3A_275 = arith.subi %rev3A_273, %rev3A_274 : vector<16xi32>
        %rev3A_276 = tpu.dynamic_gather %get3A_271[%rev3A_275] in [0] : vector<16xf32>, vector<16xi32> -> vector<16xf32>
        %swap3A_277 = arith.index_cast %scan3A_18 : i32 to index
        %swap3A_278 = arith.constant 288 : index
        %swap3A_279 = tpu.vector_load %arg5[%swap3A_277, %swap3A_278] {strides = array<i32>} : memref<64x384xf32, #tpu.memory_space<vmem>>, vector<1x16xf32>,
        %swap3A_280 = vector.shape_cast %swap3A_279 : vector<1x16xf32> to vector<16xf32>
        %swap3A_281 = vector.shape_cast %rev3A_276 : vector<16xf32> to vector<1x16xf32>
        tpu.vector_store %arg5[%swap3A_277, %swap3A_278], %swap3A_281 {strides = array<i32>} : memref<64x384xf32, #tpu.memory_space<vmem>>, vector<1x16xf32>,
        %get3A_282 = arith.index_cast %scan3A_18 : i32 to index
        %get3A_283 = arith.constant 64 : index
        %get3A_284 = tpu.vector_load %arg4[%get3A_282, %get3A_283] {strides = array<i32>} : memref<64x384xf32, #tpu.memory_space<vmem>>, vector<1x16xf32>,
        %get3A_285 = vector.shape_cast %get3A_284 : vector<1x16xf32> to vector<16xf32>
        %rev3A_286 = arith.constant 15 : i32
        %rev3A_287 = vector.broadcast %rev3A_286 : i32 to vector<16xi32>
        %rev3A_288 = tpu.iota {dimensions = array<i32: 0>} : vector<16xi32>
        %rev3A_289 = arith.subi %rev3A_287, %rev3A_288 : vector<16xi32>
        %rev3A_290 = tpu.dynamic_gather %get3A_285[%rev3A_289] in [0] : vector<16xf32>, vector<16xi32> -> vector<16xf32>
        %swap3A_291 = arith.index_cast %scan3A_18 : i32 to index
        %swap3A_292 = arith.constant 304 : index
        %swap3A_293 = tpu.vector_load %arg5[%swap3A_291, %swap3A_292] {strides = array<i32>} : memref<64x384xf32, #tpu.memory_space<vmem>>, vector<1x16xf32>,
        %swap3A_294 = vector.shape_cast %swap3A_293 : vector<1x16xf32> to vector<16xf32>
        %swap3A_295 = vector.shape_cast %rev3A_290 : vector<16xf32> to vector<1x16xf32>
        tpu.vector_store %arg5[%swap3A_291, %swap3A_292], %swap3A_295 {strides = array<i32>} : memref<64x384xf32, #tpu.memory_space<vmem>>, vector<1x16xf32>,
        %get3A_296 = arith.index_cast %scan3A_18 : i32 to index
        %get3A_297 = arith.constant 48 : index
        %get3A_298 = tpu.vector_load %arg4[%get3A_296, %get3A_297] {strides = array<i32>} : memref<64x384xf32, #tpu.memory_space<vmem>>, vector<1x16xf32>,
        %get3A_299 = vector.shape_cast %get3A_298 : vector<1x16xf32> to vector<16xf32>
        %rev3A_300 = arith.constant 15 : i32
        %rev3A_301 = vector.broadcast %rev3A_300 : i32 to vector<16xi32>
        %rev3A_302 = tpu.iota {dimensions = array<i32: 0>} : vector<16xi32>
        %rev3A_303 = arith.subi %rev3A_301, %rev3A_302 : vector<16xi32>
        %rev3A_304 = tpu.dynamic_gather %get3A_299[%rev3A_303] in [0] : vector<16xf32>, vector<16xi32> -> vector<16xf32>
        %swap3A_305 = arith.index_cast %scan3A_18 : i32 to index
        %swap3A_306 = arith.constant 320 : index
        %swap3A_307 = tpu.vector_load %arg5[%swap3A_305, %swap3A_306] {strides = array<i32>} : memref<64x384xf32, #tpu.memory_space<vmem>>, vector<1x16xf32>,
        %swap3A_308 = vector.shape_cast %swap3A_307 : vector<1x16xf32> to vector<16xf32>
        %swap3A_309 = vector.shape_cast %rev3A_304 : vector<16xf32> to vector<1x16xf32>
        tpu.vector_store %arg5[%swap3A_305, %swap3A_306], %swap3A_309 {strides = array<i32>} : memref<64x384xf32, #tpu.memory_space<vmem>>, vector<1x16xf32>,
        %get3A_310 = arith.index_cast %scan3A_18 : i32 to index
        %get3A_311 = arith.constant 32 : index
        %get3A_312 = tpu.vector_load %arg4[%get3A_310, %get3A_311] {strides = array<i32>} : memref<64x384xf32, #tpu.memory_space<vmem>>, vector<1x16xf32>,
        %get3A_313 = vector.shape_cast %get3A_312 : vector<1x16xf32> to vector<16xf32>
        %rev3A_314 = arith.constant 15 : i32
        %rev3A_315 = vector.broadcast %rev3A_314 : i32 to vector<16xi32>
        %rev3A_316 = tpu.iota {dimensions = array<i32: 0>} : vector<16xi32>
        %rev3A_317 = arith.subi %rev3A_315, %rev3A_316 : vector<16xi32>
        %rev3A_318 = tpu.dynamic_gather %get3A_313[%rev3A_317] in [0] : vector<16xf32>, vector<16xi32> -> vector<16xf32>
        %swap3A_319 = arith.index_cast %scan3A_18 : i32 to index
        %swap3A_320 = arith.constant 336 : index
        %swap3A_321 = tpu.vector_load %arg5[%swap3A_319, %swap3A_320] {strides = array<i32>} : memref<64x384xf32, #tpu.memory_space<vmem>>, vector<1x16xf32>,
        %swap3A_322 = vector.shape_cast %swap3A_321 : vector<1x16xf32> to vector<16xf32>
        %swap3A_323 = vector.shape_cast %rev3A_318 : vector<16xf32> to vector<1x16xf32>
        tpu.vector_store %arg5[%swap3A_319, %swap3A_320], %swap3A_323 {strides = array<i32>} : memref<64x384xf32, #tpu.memory_space<vmem>>, vector<1x16xf32>,
        %get3A_324 = arith.index_cast %scan3A_18 : i32 to index
        %get3A_325 = arith.constant 16 : index
        %get3A_326 = tpu.vector_load %arg4[%get3A_324, %get3A_325] {strides = array<i32>} : memref<64x384xf32, #tpu.memory_space<vmem>>, vector<1x16xf32>,
        %get3A_327 = vector.shape_cast %get3A_326 : vector<1x16xf32> to vector<16xf32>
        %rev3A_328 = arith.constant 15 : i32
        %rev3A_329 = vector.broadcast %rev3A_328 : i32 to vector<16xi32>
        %rev3A_330 = tpu.iota {dimensions = array<i32: 0>} : vector<16xi32>
        %rev3A_331 = arith.subi %rev3A_329, %rev3A_330 : vector<16xi32>
        %rev3A_332 = tpu.dynamic_gather %get3A_327[%rev3A_331] in [0] : vector<16xf32>, vector<16xi32> -> vector<16xf32>
        %swap3A_333 = arith.index_cast %scan3A_18 : i32 to index
        %swap3A_334 = arith.constant 352 : index
        %swap3A_335 = tpu.vector_load %arg5[%swap3A_333, %swap3A_334] {strides = array<i32>} : memref<64x384xf32, #tpu.memory_space<vmem>>, vector<1x16xf32>,
        %swap3A_336 = vector.shape_cast %swap3A_335 : vector<1x16xf32> to vector<16xf32>
        %swap3A_337 = vector.shape_cast %rev3A_332 : vector<16xf32> to vector<1x16xf32>
        tpu.vector_store %arg5[%swap3A_333, %swap3A_334], %swap3A_337 {strides = array<i32>} : memref<64x384xf32, #tpu.memory_space<vmem>>, vector<1x16xf32>,
        %get3A_338 = arith.index_cast %scan3A_18 : i32 to index
        %get3A_339 = arith.constant 0 : index
        %get3A_340 = tpu.vector_load %arg4[%get3A_338, %get3A_339] {strides = array<i32>} : memref<64x384xf32, #tpu.memory_space<vmem>>, vector<1x16xf32>,
        %get3A_341 = vector.shape_cast %get3A_340 : vector<1x16xf32> to vector<16xf32>
        %rev3A_342 = arith.constant 15 : i32
        %rev3A_343 = vector.broadcast %rev3A_342 : i32 to vector<16xi32>
        %rev3A_344 = tpu.iota {dimensions = array<i32: 0>} : vector<16xi32>
        %rev3A_345 = arith.subi %rev3A_343, %rev3A_344 : vector<16xi32>
        %rev3A_346 = tpu.dynamic_gather %get3A_341[%rev3A_345] in [0] : vector<16xf32>, vector<16xi32> -> vector<16xf32>
        %swap3A_347 = arith.index_cast %scan3A_18 : i32 to index
        %swap3A_348 = arith.constant 368 : index
        %swap3A_349 = tpu.vector_load %arg5[%swap3A_347, %swap3A_348] {strides = array<i32>} : memref<64x384xf32, #tpu.memory_space<vmem>>, vector<1x16xf32>,
        %swap3A_350 = vector.shape_cast %swap3A_349 : vector<1x16xf32> to vector<16xf32>
        %swap3A_351 = vector.shape_cast %rev3A_346 : vector<16xf32> to vector<1x16xf32>
        tpu.vector_store %arg5[%swap3A_347, %swap3A_348], %swap3A_351 {strides = array<i32>} : memref<64x384xf32, #tpu.memory_space<vmem>>, vector<1x16xf32>,
      }
      %scan3A_17 = arith.constant 64 : i32
      "tpu.region"() ({
        %run_scoped3A = tpu.sem_alloc : memref<!tpu.dma_semaphore, #tpu.memory_space<semaphore_mem>>
        %dma_start3A = arith.constant 0 : i32
        %dma_start3A_18 = tpu.memref_slice %arg3[%add3A_11, %dma_start3A] : memref<147456x384xf32, #tpu.memory_space<hbm>> -> memref<64x384xf32, #tpu.memory_space<hbm>>
        %dma_start3A_19 = arith.constant 0 : i32
        %dma_start3A_20 = tpu.memref_slice %arg3[%add3A_11, %dma_start3A_19] : memref<147456x384xf32, #tpu.memory_space<hbm>> -> memref<64x384xf32, #tpu.memory_space<hbm>>
        tpu.enqueue_dma source(%arg5 : memref<64x384xf32, #tpu.memory_space<vmem>>) target(%dma_start3A_20 : memref<64x384xf32, #tpu.memory_space<hbm>>) target_semaphore(%run_scoped3A : memref<!tpu.dma_semaphore, #tpu.memory_space<semaphore_mem>>)
        %dma_wait3A = arith.constant 0 : i32
        %dma_wait3A_21 = tpu.memref_slice %arg3[%add3A_11, %dma_wait3A] : memref<147456x384xf32, #tpu.memory_space<hbm>> -> memref<64x384xf32, #tpu.memory_space<hbm>>
        %dma_wait3A_22 = arith.constant 0 : i32
        %dma_wait3A_23 = tpu.memref_slice %arg3[%add3A_11, %dma_wait3A_22] : memref<147456x384xf32, #tpu.memory_space<hbm>> -> memref<64x384xf32, #tpu.memory_space<hbm>>
        tpu.wait_dma2 semaphore(%run_scoped3A : memref<!tpu.dma_semaphore, #tpu.memory_space<semaphore_mem>>) src(%arg5 : memref<64x384xf32, #tpu.memory_space<vmem>>) dst(%dma_wait3A_23 : memref<64x384xf32, #tpu.memory_space<hbm>>)
        tpu.yield
      }) : () -> ()
    }
    %scan3A_7 = arith.constant 72 : i32
    return
  }
}

</mosaic_0001>

<sc_bundles>
// kernel: kernel.3.cloned.1.call-start
scs
__scs_entry_jumppad:
0x0: {  	(pc) =	sbr.rel $0x88, $3  }
0x1: {  	(tag) =	ssettag $0x0;
	lr =	simm.s32 $0x1  }
0x2: {  	[smem:$0x3FA0] =	sst lr;
	_ =	strace $0xD0000000  }
0x3: {  	_ = 	snop  }
0x4: {  	_ = 	snop  }
0x5: {  	_ = 	snop  }
0x6: {  	_ = 	snop  }
0x7: {  	_ = 	snop  }
__scs_overlays_trampoline_lowered:
0x8: {  	[smem:$0x3FAF] =	sst s0  }
0x9: {  	[smem:$0x3FB0] =	sst s1  }
0xa: {  	[smem:$0x3FB1] =	sst s2  }
0xb: {  	[smem:$0x3FB2] =	sst s3  }
0xc: {  	[smem:$0x3FB3] =	sst s4  }
0xd: {  	[smem:$0x3FB4] =	sst s5  }
0xe: {  	[smem:$0x3FB5] =	sst s6  }
0xf: {  	[smem:$0x3FB6] =	sst s7  }
0x10: {  	[smem:$0x3FB7] =	sst s8  }
0x11: {  	[smem:$0x3FB8] =	sst s9;
	s0 =	simm.s32 @!p0 $0x0  }
0x12: {  	s1 =	sld [smem:$0x3F9E];
	s0 =	simm.s32 @p0 $0x1  }
0x13: {  	[smem:$0x3FB9] =	sst s0;
	s0 =	simm.s32 @!p1 $0x0  }
0x14: {  	s2 =	sld [smem:$0x3F9D];
	s0 =	simm.s32 @p1 $0x1  }
0x15: {  	[smem:$0x3FBA] =	sst s0;
	s0 =	simm.s32 @!p2 $0x0  }
0x16: {  	s3 =	sld [smem:$0x3FDB];
	s0 =	simm.s32 @p2 $0x1  }
0x17: {  	s4 =	simm.s32 $0x1BF5;
	[smem:$0x3FBC] =	sst s0  }
0x18: {  	s0 =	sld [smem:$0x3F9F];
	_ =	swait.ge [sflag:s4], $0x0  }
0x19: {  	s7 =	sld [smem:$0x3FA0]  }
0x1a: {  	s8 =	sadd.s32 $0xFFFFE003, lr  }
0x1b: {  	s9 =	sadd.s32 $0xFFFFFEF7, lr;
	s5 =	simm.s32 $0xFFFFFFFF;
	p2 =	slt.u32 s8, $0xFFFFF086  }
0x1c: {  	p1 =	slt.u32 s9, $0xF7A;
	s5 =	simm.s32 @!p2 $0x0  }
0x1d: {  	s5 =	simm.s32 @p1 $0x1;
	p0 =	seq.s32 s7, s2  }
0x1e: {  	s7 =	smul.u32 @!p0 $0xF7A, s2;
	p2 =	seq.s32 @!p0 s5, $0x0  }
0x1f: {  	s9 =	smul.u32 $0xF7A, s1;
	s8 =	simm.s32 @!p0 $0x1BF5;
	p2 =	por !p2, p0  }
0x20: {  	[sflag:s8] =	ssyncset.s32 @!p0 $0xFFFFF086;
	s6 =	sadd.s32 @!p0 s3, s7;
	s7 =	simm.s32 @!p0 $0x108  }
0x21: {  	s3 =	sadd.s32 s3, s9;
	s6 =	sadd.s32 @!p0 $0x88, s6;
	s7 =	simm.s32 @p2 $0x1082  }
0x22: {  	[simem:s7], [sflag:s8] =	dma.local @!p0 [hbm:s6], $0xF7A  }
0x23: {  	s9 =	sor.u32 $0xD0000000, s2;
	s6 =	simm.s32 $0x108;
	_ =	swait.ge @!p0 [sflag:s8], $0x0  }
0x24: {  	s3 =	sadd.s32 $0x88, s3;
	s6 =	simm.s32 @!p1 $0x1082;
	[sflag:s4] =	ssyncset.s32 $0xFFFFF086  }
0x25: {  	[simem:s6], [sflag:s4] =	dma.local [hbm:s3], $0xF7A  }
0x26: {  	[smem:$0x3FA0] =	sst s1;
	(tag) =	ssettag s2;
	_ =	strace s9  }
0x27: {  	s1 =	sld [smem:$0x3FB0]  }
0x28: {  	s2 =	sld [smem:$0x3FB1]  }
0x29: {  	s4 =	sld [smem:$0x3FB3]  }
0x2a: {  	p0 =	seq.s32 s5, $0x0;
	s5 =	sld [smem:$0x3FB4]  }
0x2b: {  	s6 =	sld [smem:$0x3FB5]  }
0x2c: {  	s7 =	sld [smem:$0x3FB6]  }
0x2d: {  	s3 =	simm.s32 $0x108;
	s8 =	sld [smem:$0x3FB7]  }
0x2e: {  	s3 =	simm.s32 @!p0 $0x1082;
	s9 =	sld [smem:$0x3FB8]  }
0x2f: {  	lr =	sadd.s32 s0, s3;
	s0 =	sld [smem:$0x3FAF]  }
0x30: {  	s3 =	sld [smem:$0x3FB2]  }
0x31: {  	[smem:$0x3FBB] =	sst s10  }
0x32: {  	s10 =	sld [smem:$0x3FB9];
	_ =	sdelay $0x3  }
0x33: {  	p0 =	seq.s32 s10, $0x1;
	s10 =	sld [smem:$0x3FBB];
	_ =	sdelay $0x3  }
0x34: {  	[smem:$0x3FBB] =	sst s10  }
0x35: {  	s10 =	sld [smem:$0x3FBA];
	_ =	sdelay $0x3  }
0x36: {  	p1 =	seq.s32 s10, $0x1;
	s10 =	sld [smem:$0x3FBB];
	_ =	sdelay $0x3  }
0x37: {  	[smem:$0x3FBB] =	sst s10  }
0x38: {  	s10 =	sld [smem:$0x3FBC]  }
0x39: {  	_ = 	snop;
	(pc) =	sbr.ind lr, $3  }
0x3a: {  	_ = 	snop  }
0x3b: {  	_ = 	snop  }
0x3c: {  	p2 =	seq.s32 s10, $0x1;
	s10 =	sld [smem:$0x3FBB]  }
0x3d: {  	_ =	shalt  }
0x3e: {  	_ =	shalt  }
0x3f: {  	_ =	shalt  }
0x40: {  	_ =	shalt  }
0x41: {  	_ =	shalt  }
0x42: {  	_ =	shalt  }
0x43: {  	_ =	shalt  }
0x44: {  	_ =	shalt  }
0x45: {  	_ =	shalt  }
0x46: {  	_ =	shalt  }
0x47: {  	_ =	shalt  }
0x48: {  	_ =	shalt  }
0x49: {  	_ =	shalt  }
0x4a: {  	_ =	shalt  }
0x4b: {  	_ =	shalt  }
0x4c: {  	_ =	shalt  }
0x4d: {  	_ =	shalt  }
0x4e: {  	_ =	shalt  }
0x4f: {  	_ =	shalt  }
0x50: {  	_ =	shalt  }
0x51: {  	_ =	shalt  }
0x52: {  	_ =	shalt  }
0x53: {  	_ =	shalt  }
0x54: {  	_ =	shalt  }
0x55: {  	_ =	shalt  }
0x56: {  	_ =	shalt  }
0x57: {  	_ =	shalt  }
0x58: {  	_ =	shalt  }
0x59: {  	_ =	shalt  }
0x5a: {  	_ =	shalt  }
0x5b: {  	_ =	shalt  }
0x5c: {  	_ =	shalt  }
0x5d: {  	_ =	shalt  }
0x5e: {  	_ =	shalt  }
0x5f: {  	_ =	shalt  }
0x60: {  	_ =	shalt  }
0x61: {  	_ =	shalt  }
0x62: {  	_ =	shalt  }
0x63: {  	_ =	shalt  }
0x64: {  	_ =	shalt  }
0x65: {  	_ =	shalt  }
0x66: {  	_ =	shalt  }
0x67: {  	_ =	shalt  }
0x68: {  	_ =	shalt  }
0x69: {  	_ =	shalt  }
0x6a: {  	_ =	shalt  }
0x6b: {  	_ =	shalt  }
0x6c: {  	_ =	shalt  }
0x6d: {  	_ =	shalt  }
0x6e: {  	_ =	shalt  }
0x6f: {  	_ =	shalt  }
0x70: {  	_ =	shalt  }
0x71: {  	_ =	shalt  }
0x72: {  	_ =	shalt  }
0x73: {  	_ =	shalt  }
0x74: {  	_ =	shalt  }
0x75: {  	_ =	shalt  }
0x76: {  	_ =	shalt  }
0x77: {  	_ =	shalt  }
0x78: {  	_ =	shalt  }
0x79: {  	_ =	shalt  }
0x7a: {  	_ =	shalt  }
0x7b: {  	_ =	shalt  }
0x7c: {  	_ =	shalt  }
0x7d: {  	_ =	shalt  }
0x7e: {  	_ =	shalt  }
0x7f: {  	_ =	shalt  }
0x80: {  	_ =	shalt  }
0x81: {  	_ =	shalt  }
0x82: {  	_ =	shalt  }
0x83: {  	_ =	shalt  }
0x84: {  	_ =	shalt  }
0x85: {  	_ =	shalt  }
0x86: {  	_ =	shalt  }
0x87: {  	_ =	shalt  }
.Lfunc_end0:
.L_simem_size_0:
called_computation_lowered:
.L_overlay_start_0:
0x88: {  	s2 =	sld [smem:$0x3FD9]  }
0x89: {  	s3 =	sld [smem:$0x3FFE];
	_ =	sdelay $0x1  }
0x8a: {  	s1 =	srdreg.scid  }
0x8b: {  	s0 =	sand.u32 $0x1, s1  }
0x8c: {  	s18 =	sshll.u32 s0, $0xA;
	s2 =	sadd.s32 s3, s2  }
0x8d: {  	s2 =	sadd.s32 s2, s18  }
0x8e: {  	[smem:$0x3FC7] =	sst s2  }
0x8f: {  	_ = 	snop  }
0x90: {  	s2 =	sld [smem:$0x3FC9]  }
0x91: {  	s19 =	sld [smem:$0x3FD0];
	(tm) =	ssettm $0x1  }
0x92: {  	s4 =	sld [smem:$0x3FFB];
	_ =	sdelay $0x3  }
0x93: {  	_ =	strace s4  }
0x94: {  	s4 =	sld [smem:$0x3FFC];
	_ =	sdelay $0x3  }
0x95: {  	_ =	strace s4  }
0x96: {  	s4 =	sld [smem:$0x3FFD];
	_ =	sdelay $0x3  }
0x97: {  	_ =	strace s4  }
0x98: {  	_ =	strace $0x8FFFFFFF  }
0x99: {  	s20 =	sld [smem:$0x3FDB];
	_ =	sdelay $0x1  }
0x9a: {  	s5 =	simm.s32 $_scs_section_size  }
0x9b: {  	s6 =	simm.s32 $_size__tile_overlayer_lowered;
	s7 =	simm.s32 $_tile_overlayer_lowered  }
0x9c: {  	s23 =	simm.s32 $0x1BFF;
	s22 =	sshll.u32 s7, $0x1;
	s4 =	sadd.s32 s5, s20  }
0x9d: {  	s8 =	simm.s32 $0x0;
	s21 =	sshll.u32 s6, $0x1;
	s6 =	sadd.s32 s22, s4  }
0x9e: {  	[timem:s8], [sflag:s23] =	dma.local [hbm:s6], s21  }
0x9f: {  	_ =	swait.ge [sflag:s23], s21  }
0xa0: {  	s5 =	ssub.s32 $0x0, s21;
	[sflag:s23] =	ssyncset.done $0x0  }
0xa1: {  	[sflag:s23] =	ssyncadd.s32 s5;
	_ =	sdelay $0x1  }
0xa2: {  	s24 =	simm.s32 $0x1B8B  }
0xa3: {  	_ =	swait.ge [sflag:s24], $0x1  }
0xa4: {  	[sflag:s24] =	ssyncset.done $0x0  }
0xa5: {  	s25 =	simm.s32 $0x1B8E;
	[sflag:s24] =	ssyncadd.s32 $0xFFFFFFFF  }
0xa6: {  	s26 =	simm.s32 $execute0_lowered;
	[smem:$0x3FD2] =	sst s25  }
0xa7: {  	s5 =	sshll.u32 s26, $0x1;
	_ =	strace $0x80000046;
	[dreg:$0x1] =	wrdreg $0xFFFFFFFF  }
0xa8: {  	s28 =	simm.s32 $_size_execute0_lowered;
	s4 =	sadd.s32 s4, s5;
	[dreg:$0x0] =	wrdreg $0x0  }
0xa9: {  	s5 =	sshll.u32 s28, $0x1;
	[dreg:$0x2] =	wrdreg s4  }
0xaa: {  	[dreg:$0x3] =	wrdreg s5  }
0xab: {  	[dreg:$0x4] =	wrdreg $0xC0  }
0xac: {  	_ =	task [dreg:s8], $0x5FFFF  }
0xad: {  	[dreg:$0x1] =	wrdreg $0xFFFFFFFF  }
0xae: {  	[dreg:$0x0] =	wrdreg $0x60  }
0xaf: {  	[dreg:$0x2] =	wrdreg s2  }
0xb0: {  	[dreg:$0x3] =	wrdreg s19  }
0xb1: {  	[dreg:$0x4] =	wrdreg $0x9  }
0xb2: {  	_ =	task.clear_ibuf [dreg:s8], $0x5FFFF;
	_ =	strace $0x90000046  }
0xb3: {  	s29 =	simm.s32 $0x9;
	_ =	strace $0x80000048  }
0xb4: {  	_ =	swait.ge [sflag:s29], $0x1  }
0xb5: {  	[sflag:s29] =	ssyncadd.s32 $0xFFFFFFFF  }
0xb6: {  	_ =	strace $0x90000048  }
0xb7: {  	_ =	sfence  }
0xb8: {  	s30 =	sld [smem:$0x0];
	_ =	sdelay $0x2  }
0xb9: {  	s31 =	sshll.u32 s1, $0xD;
	s1 =	sshrl.u32 s1, $0x2  }
0xba: {  	s3 =	sand.u32 $0x4000, s31;
	s1 =	sadd.s32 s1, s30  }
0xbb: {  	s0 =	sor.u32 s3, s0;
	s1 =	sshll.u32 s1, $0x11  }
0xbc: {  	s0 =	sor.u32 s1, s0  }
0xbd: {  	s0 =	sadd.s32 $0x8F2B, s0  }
0xbe: {  	[sflag:s0] =	ssyncadd.remote.s32 $0x1  }
0xbf: {  	_ =	sfence.sel $0xFFFF  }
0xc0: {  	[dreg:$0x0] =	wrdreg $0xFFFFFFFF;
	(pc) =	sbr.abs _section_cstart, $3  }
0xc1: {  	[dreg:$0x1] =	wrdreg $0xFFFFFFFF  }
0xc2: {  	_ =	task.clear_ibuf [dreg:s8], $0x2FFFF;
	_ =	strace $0x9FFFFFFF  }
0xc3: {  	(tm) =	ssettm $0x7FFFFFFF  }
tec
execute0_lowered:
.L_overlay_start_1:
0x0: {  	(tag) =	ssettag $0x1  }
0x1: {  	s1 =	rddreg [dreg:$0x0];
	s0 =	srdreg.scid  }
0x2: {  	s3 =	rddreg [dreg:$0x1];
	s2 =	stileid.u32  }
0x3: {  	s4 =	simm.s32 $0x0;
	s9 =	simm.s32 $0x0;
	s5 =	sand.u32 $0x1, s0  }
0x4: {  	v0 =	vlaneseq.u32;
	s0 =	rddreg [dreg:$0x2];
	s8 =	sshll.u32 s2, $0x1;
	s6 =	ssub.s32 $0x2, s5  }
0x5: {  	[smem:$0x7FF] =	sst s4;
	v0 =	vmul.u32 $0xFFFFFFFF, v0;
	s5 =	sor.u32 s5, s8;
	s7 =	sshrl.u32 s6, $0x1  }
0x6: {  	_ =	strace $0x80000047;
	s8 =	simm.s32 $0x6000;
	s6 =	ssub.s32 s6, s7  }
0x7: {  	s5 =	smul.u32 $0x1200, s5;
	v0 =	vadd.s32 $0xF, v0;
	s7 =	simm.s32 $0x1;
	s6 =	smax.u32 s6, $0x1  }
.LBB2_1:
0x8: {  	s10 =	simm.s32 $0x0  }
.LBB2_2:
0x9: {  	s11 =	sshll.u32 s10, $0x6  }
0xa: {  	s11 =	sadd.s32 s5, s11  }
0xb: {  	s11 =	sshrl.u32 s11, $0x3  }
0xc: {  	s11 =	smul.u32 $0x180, s11;
	_ =	sdelay $0x1  }
0xd: {  	s13 =	simm.s32 $0x0;
	s31 =	simm.s32 $0x0;
	s12 =	sadd.s32 s1, s11  }
0xe: {  	[tilespmem:s13], [sflag:$0x1] =	stream.linear.gather [hbm4b:s12+s13], $0x6000, $0x38;
	[tilespmem:$0xC000] =	vst v63  }
0xf: {  	s12 =	smul.u32 $0xC00, s31;
	_ =	swait.ge [sflag:s7], $0x6000  }
0x10: {  	s14 =	sand.u32 $0x380, s13;
	[sflag:s7] =	ssyncset.done $0x0  }
0x11: {  	s12 =	sor.u32 s14, s12;
	[sflag:s7] =	ssyncadd.s32 $0xFFFFA000  }
0x12: {  	v1 =	vld [tilespmem:s12+$0x0]  }
0x13: {  	v2 =	vld [tilespmem:s12+$0x870]  }
0x14: {  	v3 =	vld [tilespmem:s12+$0x860]  }
0x15: {  	v4 =	vld [tilespmem:s12+$0x850]  }
0x16: {  	v5 =	vld [tilespmem:s12+$0x840]  }
0x17: {  	v6 =	vld [tilespmem:s12+$0x830]  }
0x18: {  	v7 =	vld [tilespmem:s12+$0x820];
	v1 =	vperm.xlane v1, v0  }
0x19: {  	v2 =	vperm.xlane v2, v0  }
0x1a: {  	[tilespmem:s12+$0x6870] =	vst v1;
	v1 =	vperm.xlane v3, v0  }
0x1b: {  	v8 =	vld [tilespmem:s12+$0x810];
	[tilespmem:s12+$0x6000] =	vst v2;
	v3 =	vperm.xlane v4, v0  }
0x1c: {  	v2 =	vld [tilespmem:s12+$0x800];
	v4 =	vperm.xlane v5, v0;
	[tilespmem:s12+$0x6010] =	vst v1  }
0x1d: {  	v5 =	vperm.xlane v6, v0;
	v6 =	vperm.xlane v7, v0;
	v1 =	vld [tilespmem:s12+$0x470];
	[tilespmem:s12+$0x6020] =	vst v3  }
0x1e: {  	v3 =	vld [tilespmem:s12+$0x460];
	[tilespmem:s12+$0x6030] =	vst v4  }
0x1f: {  	[tilespmem:s12+$0x6050] =	vst v6;
	v6 =	vld [tilespmem:s12+$0x430]  }
0x20: {  	v4 =	vld [tilespmem:s12+$0x450];
	[tilespmem:s12+$0x6040] =	vst v5;
	v5 =	vperm.xlane v8, v0  }
0x21: {  	v7 =	vld [tilespmem:s12+$0x440];
	v2 =	vperm.xlane v2, v0  }
0x22: {  	v8 =	vld [tilespmem:s12+$0x420];
	[tilespmem:s12+$0x6060] =	vst v5;
	v1 =	vperm.xlane v1, v0  }
0x23: {  	v9 =	vld [tilespmem:s12+$0x410];
	[tilespmem:s12+$0x6070] =	vst v2;
	v2 =	vperm.xlane v3, v0  }
0x24: {  	v5 =	vld [tilespmem:s12+$0x400];
	v6 =	vperm.xlane v6, v0;
	[tilespmem:s12+$0x6400] =	vst v1  }
0x25: {  	v3 =	vld [tilespmem:s12+$0x70];
	v1 =	vperm.xlane v4, v0;
	[tilespmem:s12+$0x6410] =	vst v2  }
0x26: {  	v4 =	vperm.xlane v7, v0;
	v2 =	vld [tilespmem:s12+$0x60];
	[tilespmem:s12+$0x6440] =	vst v6  }
0x27: {  	v6 =	vperm.xlane v8, v0;
	[tilespmem:s12+$0x6420] =	vst v1;
	v1 =	vld [tilespmem:s12+$0x50]  }
0x28: {  	s15 =	simm.s32 $0x0;
	s14 =	simm.s32 $0x2;
	v7 =	vperm.xlane v9, v0;
	[tilespmem:s12+$0x6430] =	vst v4;
	v4 =	vld [tilespmem:s12+$0x40]  }
.LBB2_3:
0x29: {  	p0 =	sne.s32 s14, $0x3F;
	s15 =	smul.u32 $0xC00, s15;
	[tilespmem:s12+$0x6450] =	vst v6;
	v5 =	vperm.xlane v5, v0;
	v6 =	vld [tilespmem:s12+$0x30];
	s13 =	sadd.s32 $0x80, s13  }
0x2a: {  	s16 =	sand.u32 $0x380, s13;
	[tilespmem:s12+$0x6460] =	vst v7;
	v3 =	vperm.xlane v3, v0;
	v7 =	vld [tilespmem:s12+$0x20]  }
0x2b: {  	s15 =	sor.u32 s16, s15;
	[tilespmem:s12+$0x6470] =	vst v5;
	v2 =	vperm.xlane v2, v0;
	v5 =	vld [tilespmem:s12+$0x10]  }
0x2c: {  	v8 =	vld [tilespmem:s15+$0x0];
	[tilespmem:s12+$0x6800] =	vst v3;
	v1 =	vperm.xlane v1, v0  }
0x2d: {  	v3 =	vld [tilespmem:s15+$0x870];
	[tilespmem:s12+$0x6810] =	vst v2;
	v2 =	vperm.xlane v4, v0  }
0x2e: {  	v4 =	vld [tilespmem:s15+$0x860];
	[tilespmem:s12+$0x6820] =	vst v1;
	v1 =	vperm.xlane v6, v0  }
0x2f: {  	v6 =	vld [tilespmem:s15+$0x850];
	[tilespmem:s12+$0x6830] =	vst v2;
	v2 =	vperm.xlane v7, v0  }
0x30: {  	v7 =	vld [tilespmem:s15+$0x840];
	[tilespmem:s12+$0x6840] =	vst v1;
	v1 =	vperm.xlane v5, v0  }
0x31: {  	v5 =	vld [tilespmem:s15+$0x830];
	v8 =	vperm.xlane v8, v0;
	[tilespmem:s12+$0x6850] =	vst v2  }
0x32: {  	v2 =	vperm.xlane v3, v0;
	v3 =	vld [tilespmem:s15+$0x820];
	[tilespmem:s12+$0x6860] =	vst v1;
	s12 =	smov.u32 s15  }
0x33: {  	v1 =	vperm.xlane v4, v0;
	v4 =	vld [tilespmem:s12+$0x810];
	[tilespmem:s12+$0x6870] =	vst v8  }
0x34: {  	[tilespmem:s12+$0x6000] =	vst v2;
	v2 =	vperm.xlane v6, v0;
	v6 =	vld [tilespmem:s12+$0x800]  }
0x35: {  	[tilespmem:s12+$0x6010] =	vst v1;
	v1 =	vperm.xlane v7, v0;
	v7 =	vld [tilespmem:s12+$0x470]  }
0x36: {  	[tilespmem:s12+$0x6020] =	vst v2;
	v2 =	vperm.xlane v5, v0;
	v5 =	vld [tilespmem:s12+$0x460]  }
0x37: {  	[tilespmem:s12+$0x6030] =	vst v1;
	v1 =	vperm.xlane v3, v0;
	v3 =	vld [tilespmem:s12+$0x450]  }
0x38: {  	[tilespmem:s12+$0x6040] =	vst v2;
	v2 =	vperm.xlane v4, v0;
	v4 =	vld [tilespmem:s12+$0x440]  }
0x39: {  	[tilespmem:s12+$0x6050] =	vst v1;
	v1 =	vperm.xlane v6, v0;
	v6 =	vld [tilespmem:s12+$0x430]  }
0x3a: {  	[tilespmem:s12+$0x6060] =	vst v2;
	v2 =	vperm.xlane v7, v0;
	v7 =	vld [tilespmem:s12+$0x420]  }
0x3b: {  	[tilespmem:s12+$0x6070] =	vst v1;
	v1 =	vperm.xlane v5, v0;
	v8 =	vld [tilespmem:s12+$0x410]  }
.Ltmp0:
0x3c: {  	[tilespmem:s12+$0x6400] =	vst v2;
	v2 =	vperm.xlane v3, v0;
	v5 =	vld [tilespmem:s12+$0x400];
	(pc) =	sbr.rel @p0 .LBB2_3-.Ltmp0, $4  }
0x3d: {  	[tilespmem:s12+$0x6410] =	vst v1;
	v1 =	vperm.xlane v4, v0;
	v3 =	vld [tilespmem:s12+$0x70]  }
0x3e: {  	[tilespmem:s12+$0x6420] =	vst v2;
	v4 =	vperm.xlane v6, v0;
	v2 =	vld [tilespmem:s12+$0x60]  }
0x3f: {  	[tilespmem:s12+$0x6430] =	vst v1;
	v6 =	vperm.xlane v7, v0;
	v1 =	vld [tilespmem:s12+$0x50]  }
0x40: {  	s15 =	sshrl.u32 s14, $0x3;
	s14 =	sadd.s32 $0x1, s14;
	[tilespmem:s12+$0x6440] =	vst v4;
	v7 =	vperm.xlane v8, v0;
	v4 =	vld [tilespmem:s12+$0x40]  }
0x41: {  	[tilespmem:s12+$0x6450] =	vst v6;
	v47 =	vld [tilespmem:s12+$0x30];
	v5 =	vperm.xlane v5, v0;
	s14 =	smul.u32 $0xC00, s15;
	s13 =	sadd.s32 $0x80, s13  }
0x42: {  	v48 =	vld [tilespmem:s12+$0x20];
	[tilespmem:s12+$0x6460] =	vst v7;
	s13 =	sand.u32 $0x380, s13;
	v3 =	vperm.xlane v3, v0  }
0x43: {  	v49 =	vld [tilespmem:s12+$0x10];
	[tilespmem:s12+$0x6470] =	vst v5;
	s13 =	sor.u32 s13, s14;
	v2 =	vperm.xlane v2, v0  }
0x44: {  	v8 =	vld [tilespmem:s13+$0x0];
	[tilespmem:s12+$0x6800] =	vst v3;
	v1 =	vperm.xlane v1, v0  }
0x45: {  	v3 =	vld [tilespmem:s13+$0x870];
	[tilespmem:s12+$0x6810] =	vst v2;
	v4 =	vperm.xlane v4, v0  }
0x46: {  	v2 =	vld [tilespmem:s13+$0x860];
	[tilespmem:s12+$0x6820] =	vst v1;
	v6 =	vperm.xlane v47, v0  }
0x47: {  	v7 =	vperm.xlane v48, v0;
	v1 =	vld [tilespmem:s13+$0x850];
	[tilespmem:s12+$0x6830] =	vst v4  }
0x48: {  	v5 =	vperm.xlane v49, v0;
	v4 =	vld [tilespmem:s13+$0x840];
	[tilespmem:s12+$0x6840] =	vst v6  }
0x49: {  	v6 =	vld [tilespmem:s13+$0x830];
	[tilespmem:s12+$0x6850] =	vst v7;
	v50 =	vperm.xlane v8, v0  }
0x4a: {  	v51 =	vld [tilespmem:s13+$0x820];
	v3 =	vperm.xlane v3, v0;
	[tilespmem:s12+$0x6860] =	vst v5  }
0x4b: {  	v2 =	vperm.xlane v2, v0;
	v5 =	vld [tilespmem:s13+$0x810];
	[tilespmem:s13+$0x6870] =	vst v50  }
0x4c: {  	[tilespmem:s13+$0x6000] =	vst v3;
	v1 =	vperm.xlane v1, v0;
	v3 =	vld [tilespmem:s13+$0x800]  }
0x4d: {  	v52 =	vld [tilespmem:s13+$0x470];
	[tilespmem:s13+$0x6010] =	vst v2;
	v2 =	vperm.xlane v4, v0  }
0x4e: {  	v53 =	vld [tilespmem:s13+$0x460];
	[tilespmem:s13+$0x6020] =	vst v1;
	v1 =	vperm.xlane v6, v0  }
0x4f: {  	v54 =	vld [tilespmem:s13+$0x450];
	[tilespmem:s13+$0x6030] =	vst v2;
	v2 =	vperm.xlane v51, v0  }
0x50: {  	v55 =	vld [tilespmem:s13+$0x440];
	[tilespmem:s13+$0x6040] =	vst v1;
	v1 =	vperm.xlane v5, v0  }
0x51: {  	[tilespmem:s13+$0x6050] =	vst v2;
	v2 =	vperm.xlane v3, v0;
	v3 =	vld [tilespmem:s13+$0x430]  }
0x52: {  	v56 =	vld [tilespmem:s13+$0x420];
	[tilespmem:s13+$0x6060] =	vst v1;
	v1 =	vperm.xlane v52, v0  }
0x53: {  	v57 =	vld [tilespmem:s13+$0x410];
	[tilespmem:s13+$0x6070] =	vst v2;
	v2 =	vperm.xlane v53, v0  }
0x54: {  	v58 =	vld [tilespmem:s13+$0x400];
	[tilespmem:s13+$0x6400] =	vst v1;
	v1 =	vperm.xlane v54, v0  }
0x55: {  	v59 =	vld [tilespmem:s13+$0x70];
	[tilespmem:s13+$0x6410] =	vst v2;
	v2 =	vperm.xlane v55, v0  }
0x56: {  	[tilespmem:s13+$0x6420] =	vst v1;
	v1 =	vperm.xlane v3, v0;
	v3 =	vld [tilespmem:s13+$0x60]  }
0x57: {  	v60 =	vld [tilespmem:s13+$0x50];
	[tilespmem:s13+$0x6430] =	vst v2;
	v2 =	vperm.xlane v56, v0  }
0x58: {  	v61 =	vld [tilespmem:s13+$0x40];
	[tilespmem:s13+$0x6440] =	vst v1;
	v1 =	vperm.xlane v57, v0  }
0x59: {  	v62 =	vld [tilespmem:s13+$0x30];
	[tilespmem:s13+$0x6450] =	vst v2;
	v2 =	vperm.xlane v58, v0  }
0x5a: {  	v63 =	vld [tilespmem:s13+$0x20];
	[tilespmem:s13+$0x6460] =	vst v1;
	v1 =	vperm.xlane v59, v0  }
0x5b: {  	[tilespmem:s13+$0x6470] =	vst v2;
	v2 =	vperm.xlane v3, v0;
	v3 =	vld [tilespmem:s13+$0x10]  }
0x5c: {  	[tilespmem:s13+$0x6800] =	vst v1;
	v1 =	vperm.xlane v60, v0  }
0x5d: {  	[tilespmem:s13+$0x6810] =	vst v2;
	v2 =	vperm.xlane v61, v0  }
0x5e: {  	[tilespmem:s13+$0x6820] =	vst v1;
	v1 =	vperm.xlane v62, v0  }
0x5f: {  	[tilespmem:s13+$0x6830] =	vst v2;
	v2 =	vperm.xlane v63, v0  }
0x60: {  	s10 =	sadd.s32 $0x1, s10;
	[tilespmem:s13+$0x6840] =	vst v1;
	v1 =	vperm.xlane v3, v0  }
0x61: {  	p0 =	sne.s32 s10, $0x48;
	[tilespmem:s13+$0x6850] =	vst v2  }
.Ltmp1:
0x62: {  	s11 =	sadd.s32 s3, s11;
	[tilespmem:s13+$0x6860] =	vst v1;
	(pc) =	sbr.rel @p0 .LBB2_2-.Ltmp1, $4  }
0x63: {  	[hbm4b:s11+s4] =	stream.linear.scatter [tilespmem:s8], [sflag:$0x1], $0x6000, $0x38;
	[tilespmem:$0xC000] =	vst v63  }
0x64: {  	_ =	swait.ge [sflag:s7], $0x6000  }
0x65: {  	[sflag:s7] =	ssyncset.done $0x0  }
0x66: {  	[sflag:s7] =	ssyncadd.s32 $0xFFFFA000  }
0x67: {  	s9 =	sadd.s32 $0x1, s9  }
0x68: {  	p0 =	sne.s32 s9, s6  }
.Ltmp2:
0x69: {  	_ = 	snop;
	(pc) =	sbr.rel @p0 .LBB2_1-.Ltmp2, $1  }
0x6a: {  	_ =	sdelay $0x3  }
0x6b: {  	_ =	sfence.sel $0x180000  }
0x6c: {  	[bflag:$0x0] =	sbarrier.arrive $0xFFFF  }
0x6d: {  	p0 =	sne.s32 s2, $0x0;
	_ =	strace $0x90000047  }
0x6e: {  	s0 =	sadd.s32 @!p0 $0x100000, s0;
	[bflag:$0x2] =	sbarrier.arrive $0xFFFF  }
0x6f: {  	[sflag:s0] =	ssyncadd.tile.s32 @!p0 $0x1;
	_ =	shalt  }
.Lfunc_end2:
_tile_overlayer_lowered:
.L_overlay_start_2:
0x70: {  	(tag) =	ssettag $0x2  }
0x71: {  	s0 =	rddreg [dreg:$0x0];
	s2 =	stileid.u32  }
0x72: {  	s1 =	rddreg [dreg:$0x1];
	p0 =	sne.s32 s2, $0x0  }
0x73: {  	s3 =	rddreg [dreg:$0x2];
	[bflag:$0x3] =	sbarrier.arrive $0xFFFF;
	s2 =	simm.s32 @!p0 $0x1C01  }
0x74: {  	[timem:s3], [sflag:s2] =	dma.local @!p0 [hbm:s0], s1  }
0x75: {  	s0 =	simm.s32 @!p0 $0x1  }
0x76: {  	_ =	swait.ge @!p0 [sflag:s0], s1  }
0x77: {  	s1 =	ssub.s32 @!p0 $0x0, s1;
	[sflag:s0] =	ssyncset.done @!p0 $0x0  }
0x78: {  	[sflag:s0] =	ssyncadd.s32 @!p0 s1  }
0x79: {  	[bflag:$0x3] =	sbarrier.arrive $0xFFFF  }
0x7a: {  	_ =	shalt  }

</sc_bundles>
